<compile_context>
chip_gen: v7x
topology: tpu7x:2x2x1
jax: 0.10.2.dev20260603
libtpu: 0.0.44.dev20260713+nightly
codegen_flags: <defaults>
</compile_context>

<pallas_src>
import functools

import jax
import jax.numpy as jnp
import numpy as np
from jax import lax
from jax.experimental import pallas as pl
from jax.experimental.pallas import tpu as pltpu
from jax.experimental.pallas import tpu_sc as plsc

B = 16384
IN_DIM = 169
IN_PAD = 256
HIDDEN = 2048
ACTIONS = 1024
N_BANNED = 4096
MIN_VAL = float(np.finfo(np.float32).min)

TILE = 1024
GRID = B // TILE

NUM_CORES = 2
NUM_SUBCORES = 16
NW = NUM_CORES * NUM_SUBCORES
ROWS_PER_W = B // NW
LANES = 16
COLS_PER_WORD = 8
WORDS_PER_ROW = ACTIONS // COLS_PER_WORD
SLAB = ROWS_PER_W * WORDS_PER_ROW
POS_PER_W = ROWS_PER_W * ACTIONS


@functools.lru_cache(maxsize=1)
def _make_mask_kernel():
    mesh = plsc.VectorSubcoreMesh(core_axis_name="c", subcore_axis_name="s")

    zu = 16

    @functools.partial(
        pl.kernel,
        mesh=mesh,
        out_type=jax.ShapeDtypeStruct((B * WORDS_PER_ROW,), jnp.int32),
        scratch_types=[
            pltpu.VMEM((N_BANNED,), jnp.int32),
            pltpu.VMEM((SLAB,), jnp.int32),
        ],
        compiler_params=pltpu.CompilerParams(needs_layout_passes=False),
    )
    def mask_kernel(banned_hbm, bits_hbm, banned_v, slab_v):
        wid = lax.axis_index("s") * NUM_CORES + lax.axis_index("c")
        pltpu.sync_copy(banned_hbm, banned_v)
        zeros16 = jnp.zeros((LANES,), jnp.int32)
        base = wid * POS_PER_W

        def zbody(i, c):
            for u in range(zu):
                slab_v[pl.ds((i * zu + u) * LANES, LANES)] = zeros16
            return c

        lax.fori_loop(0, SLAB // (LANES * zu), zbody, 0)

        def sbody(j, c):
            idx = banned_v[pl.ds(j * LANES, LANES)]
            local = idx - base
            ok = (local >= 0) & (local < POS_PER_W)
            word = jnp.clip(local >> 3, 0, SLAB - 1)
            bitpos = local & 7
            for bb in range(COLS_PER_WORD):
                m = ok & (bitpos == bb)
                old = plsc.load_gather(slab_v, [word], mask=m)
                plsc.store_scatter(slab_v, [word],
                                   old | jnp.int32(1 << bb), mask=m)
            return c

        lax.fori_loop(0, N_BANNED // LANES, sbody, 0)
        pltpu.sync_copy(slab_v, bits_hbm.at[pl.ds(wid * SLAB, SLAB)])

    return mask_kernel


def _mlp_body(xt_ref, w1_ref, b1_ref, w2_ref, b2_ref, raw_ref,
              w1_bf, w2_bf):
    @pl.when(pl.program_id(0) == 0)
    def _():
        w1_bf[...] = w1_ref[...].astype(jnp.bfloat16)
        w2_bf[...] = w2_ref[...].astype(jnp.bfloat16)

    h = jnp.maximum(
        lax.dot_general(xt_ref[...].astype(jnp.bfloat16), w1_bf[...],
                        dimension_numbers=(((0,), (0,)), ((), ())),
                        preferred_element_type=jnp.float32)
        + b1_ref[...], 0.0)
    raw_ref[...] = (
        jnp.dot(h.astype(jnp.bfloat16), w2_bf[...],
                preferred_element_type=jnp.float32)
        + b2_ref[...])


_mlp_call = pl.pallas_call(
    _mlp_body,
    grid=(GRID,),
    in_specs=[
        pl.BlockSpec((IN_DIM, TILE), lambda i: (0, i)),
        pl.BlockSpec((IN_DIM, HIDDEN), lambda i: (0, 0)),
        pl.BlockSpec((1, HIDDEN), lambda i: (0, 0)),
        pl.BlockSpec((HIDDEN, ACTIONS), lambda i: (0, 0)),
        pl.BlockSpec((1, ACTIONS), lambda i: (0, 0)),
    ],
    out_specs=pl.BlockSpec((TILE, ACTIONS), lambda i: (i, 0)),
    out_shape=jax.ShapeDtypeStruct((B, ACTIONS), jnp.float32),
    scratch_shapes=[
        pltpu.VMEM((IN_DIM, HIDDEN), jnp.bfloat16),
        pltpu.VMEM((HIDDEN, ACTIONS), jnp.bfloat16),
    ],
    compiler_params=pltpu.CompilerParams(
        dimension_semantics=("arbitrary",)),
)

TILE2 = 2048
GRID2 = B // TILE2


def _top1_body(raw_ref, bits_ref, idx_ref, val_ref):
    raw = raw_ref[...]
    bits = bits_ref[...].reshape(TILE2, WORDS_PER_ROW)
    wrow = lax.broadcasted_iota(jnp.int32, (WORDS_PER_ROW, ACTIONS), 0)
    ccol = lax.broadcasted_iota(jnp.int32, (WORDS_PER_ROW, ACTIONS), 1)
    sel = ((ccol >> 3) == wrow).astype(jnp.bfloat16)
    rep = jnp.dot(bits.astype(jnp.bfloat16), sel,
                  preferred_element_type=jnp.float32).astype(jnp.int32)
    col = lax.broadcasted_iota(jnp.int32, raw.shape, 1)
    banned = (lax.shift_right_logical(rep, col & 7) & 1) != 0
    q = jnp.where(banned, MIN_VAL, raw)
    vmax = jnp.max(q, axis=1, keepdims=True)
    idx = jnp.min(jnp.where(q == vmax, col, jnp.int32(ACTIONS)),
                  axis=1, keepdims=True)
    idx_ref[...] = idx.reshape(TILE2 // 128, 128)
    val_ref[...] = vmax.reshape(TILE2 // 128, 128)


_top1_call = pl.pallas_call(
    _top1_body,
    grid=(GRID2,),
    in_specs=[
        pl.BlockSpec((TILE2, ACTIONS), lambda i: (i, 0)),
        pl.BlockSpec((TILE2 // 8, 8, WORDS_PER_ROW), lambda i: (i, 0, 0)),
    ],
    out_specs=[
        pl.BlockSpec((TILE2 // 128, 128), lambda i: (i, 0)),
        pl.BlockSpec((TILE2 // 128, 128), lambda i: (i, 0)),
    ],
    out_shape=[
        jax.ShapeDtypeStruct((B // 128, 128), jnp.int32),
        jax.ShapeDtypeStruct((B // 128, 128), jnp.float32),
    ],
    compiler_params=pltpu.CompilerParams(
        dimension_semantics=("arbitrary",)),
)


def kernel(encoded_graphs, banned_acts, W1, b1, W2, b2):
    bits = _make_mask_kernel()(banned_acts.astype(jnp.int32))
    bits3 = bits.reshape(B // 8, 8, WORDS_PER_ROW)
    raw = _mlp_call(encoded_graphs.T, W1, b1.reshape(1, HIDDEN), W2,
                    b2.reshape(1, ACTIONS))
    idx, val = _top1_call(raw, bits3)
    return (idx.reshape(B, 1), val.reshape(B, 1), raw)

# --- scband reference (transcript-rebuilt; emitter-appended) ---
"""Pipeline reference for scband-no-embedding-graph-dqn-55327768707260 (READ-ONLY COPY).

The authoritative reference and input builder live on the scoring server;
editing this copy changes nothing except your own understanding.
"""

import jax, jax.numpy as jnp
import numpy as np

B = 16384
IN_DIM = 169
HIDDEN = 2048
ACTIONS = 1024
N_BANNED = 4096


def setup_inputs(seed: int = 0) -> dict:
    key = jax.random.key(seed)
    k1, k2, k3, k4, k5, k6 = jax.random.split(key, 6)
    encoded_graphs = jax.random.normal(k1, (B, IN_DIM), dtype=jnp.float32)
    banned_acts = jax.random.randint(k2, (N_BANNED,), 0, B * ACTIONS, dtype=jnp.int64 if jax.config.read('jax_enable_x64') else jnp.int32).astype(jnp.int32)
    # Learned parameters of the fc Sequential: Linear(169, HIDDEN) -> ReLU -> Linear(HIDDEN, ACTIONS)
    W1 = jax.random.normal(k3, (IN_DIM, HIDDEN), dtype=jnp.float32) * (1.0 / np.sqrt(IN_DIM))
    b1 = jnp.zeros((HIDDEN,), dtype=jnp.float32)
    W2 = jax.random.normal(k4, (HIDDEN, ACTIONS), dtype=jnp.float32) * (1.0 / np.sqrt(HIDDEN))
    b2 = jnp.zeros((ACTIONS,), dtype=jnp.float32)
    return {"encoded_graphs": encoded_graphs, "banned_acts": banned_acts,
            "W1": W1, "b1": b1, "W2": W2, "b2": b2}


def reference(encoded_graphs, banned_acts, W1, b1, W2, b2):
    # fc: Linear -> ReLU -> Linear
    h = jnp.maximum(encoded_graphs @ W1 + b1, 0.0)
    raw_pred = h @ W2 + b2  # [B, ACTIONS] q-values
    # select_action_from_q_values: flatten, index_fill banned with float32 min, reshape jagged, top-1
    q_flat = raw_pred.reshape(-1)
    min_val = jnp.float32(np.finfo(np.float32).min)
    q_flat = q_flat.at[banned_acts].set(min_val)
    jagged = q_flat.reshape(B, ACTIONS)
    values, indices = jax.lax.top_k(jagged, 1)
    return (indices, values, raw_pred)

if __name__ == "__main__":
    import jax
    _d = setup_inputs()
    print(jax.jit(kernel)(*tuple(_d.values())))

</pallas_src>

<mosaic_0001>
#map = affine_map<(d0, d1) -> (0)>
module attributes {stable_mosaic.version = 14 : i64} {
  func.func @mask_kernel(%arg0: i32, %arg1: i32, %arg2: memref<4096xi32, #tpu.memory_space<hbm>>, %arg3: memref<2097152xi32, #tpu.memory_space<hbm>>, %arg4: memref<4096xi32, #tpu.memory_space<vmem>>, %arg5: memref<65536xi32, #tpu.memory_space<vmem>>) attributes {dimension_semantics = [#tpu.dimension_semantics<core_parallel>, #tpu.dimension_semantics<subcore_parallel>], iteration_bounds = array<i64: 2, 16>, scalar_prefetch = 0 : i64, scratch_operands = 2 : i64, tpu.core_type = #tpu.core_type<sc_vector_subcore>, window_params = [{transform_indices = #map}, {transform_indices = #map}]} {
    %mul3A = arith.constant 2 : i32
    %mul3A_0 = arith.muli %arg1, %mul3A : i32
    %add3A = arith.addi %mul3A_0, %arg0 : i32
    "tpu.region"() ({
      %run_scoped3A = tpu.sem_alloc : memref<!tpu.dma_semaphore, #tpu.memory_space<semaphore_mem>>
      tpu.enqueue_dma source(%arg2 : memref<4096xi32, #tpu.memory_space<hbm>>) target(%arg4 : memref<4096xi32, #tpu.memory_space<vmem>>) target_semaphore(%run_scoped3A : memref<!tpu.dma_semaphore, #tpu.memory_space<semaphore_mem>>)
      tpu.wait_dma2 semaphore(%run_scoped3A : memref<!tpu.dma_semaphore, #tpu.memory_space<semaphore_mem>>) src(%arg2 : memref<4096xi32, #tpu.memory_space<hbm>>) dst(%arg4 : memref<4096xi32, #tpu.memory_space<vmem>>)
      tpu.yield
    }) : () -> ()
    %broadcast_in_dim3A = arith.constant 0 : i32
    %broadcast_in_dim3A_1 = vector.broadcast %broadcast_in_dim3A : i32 to vector<16xi32>
    %mul3A_2 = arith.constant 524288 : i32
    %mul3A_3 = arith.muli %add3A, %mul3A_2 : i32
    %scan3A = arith.constant 0 : i32
    %scan3A_4 = arith.constant 0 : i32
    %scan3A_5 = arith.constant 256 : i32
    %scan3A_6 = arith.addi %scan3A_4, %scan3A_5 : i32
    %scan3A_7 = arith.constant 1 : i32
    scf.for %scan3A_17 = %scan3A_4 to %scan3A_6 step %scan3A_7  : i32 {
      %mul3A_18 = arith.constant 16 : i32
      %mul3A_19 = arith.muli %scan3A_17, %mul3A_18 : i32
      %add3A_20 = arith.constant 0 : i32
      %add3A_21 = arith.addi %mul3A_19, %add3A_20 : i32
      %mul3A_22 = arith.constant 16 : i32
      %mul3A_23 = arith.muli %add3A_21, %mul3A_22 : i32
      %swap3A = arith.index_cast %mul3A_23 : i32 to index
      %swap3A_24 = tpu.vector_load %arg5[%swap3A] {strides = array<i32>} : memref<65536xi32, #tpu.memory_space<vmem>>, vector<16xi32>,
      tpu.vector_store %arg5[%swap3A], %broadcast_in_dim3A_1 {strides = array<i32>} : memref<65536xi32, #tpu.memory_space<vmem>>, vector<16xi32>,
      %mul3A_25 = arith.constant 16 : i32
      %mul3A_26 = arith.muli %scan3A_17, %mul3A_25 : i32
      %add3A_27 = arith.constant 1 : i32
      %add3A_28 = arith.addi %mul3A_26, %add3A_27 : i32
      %mul3A_29 = arith.constant 16 : i32
      %mul3A_30 = arith.muli %add3A_28, %mul3A_29 : i32
      %swap3A_31 = arith.index_cast %mul3A_30 : i32 to index
      %swap3A_32 = tpu.vector_load %arg5[%swap3A_31] {strides = array<i32>} : memref<65536xi32, #tpu.memory_space<vmem>>, vector<16xi32>,
      tpu.vector_store %arg5[%swap3A_31], %broadcast_in_dim3A_1 {strides = array<i32>} : memref<65536xi32, #tpu.memory_space<vmem>>, vector<16xi32>,
      %mul3A_33 = arith.constant 16 : i32
      %mul3A_34 = arith.muli %scan3A_17, %mul3A_33 : i32
      %add3A_35 = arith.constant 2 : i32
      %add3A_36 = arith.addi %mul3A_34, %add3A_35 : i32
      %mul3A_37 = arith.constant 16 : i32
      %mul3A_38 = arith.muli %add3A_36, %mul3A_37 : i32
      %swap3A_39 = arith.index_cast %mul3A_38 : i32 to index
      %swap3A_40 = tpu.vector_load %arg5[%swap3A_39] {strides = array<i32>} : memref<65536xi32, #tpu.memory_space<vmem>>, vector<16xi32>,
      tpu.vector_store %arg5[%swap3A_39], %broadcast_in_dim3A_1 {strides = array<i32>} : memref<65536xi32, #tpu.memory_space<vmem>>, vector<16xi32>,
      %mul3A_41 = arith.constant 16 : i32
      %mul3A_42 = arith.muli %scan3A_17, %mul3A_41 : i32
      %add3A_43 = arith.constant 3 : i32
      %add3A_44 = arith.addi %mul3A_42, %add3A_43 : i32
      %mul3A_45 = arith.constant 16 : i32
      %mul3A_46 = arith.muli %add3A_44, %mul3A_45 : i32
      %swap3A_47 = arith.index_cast %mul3A_46 : i32 to index
      %swap3A_48 = tpu.vector_load %arg5[%swap3A_47] {strides = array<i32>} : memref<65536xi32, #tpu.memory_space<vmem>>, vector<16xi32>,
      tpu.vector_store %arg5[%swap3A_47], %broadcast_in_dim3A_1 {strides = array<i32>} : memref<65536xi32, #tpu.memory_space<vmem>>, vector<16xi32>,
      %mul3A_49 = arith.constant 16 : i32
      %mul3A_50 = arith.muli %scan3A_17, %mul3A_49 : i32
      %add3A_51 = arith.constant 4 : i32
      %add3A_52 = arith.addi %mul3A_50, %add3A_51 : i32
      %mul3A_53 = arith.constant 16 : i32
      %mul3A_54 = arith.muli %add3A_52, %mul3A_53 : i32
      %swap3A_55 = arith.index_cast %mul3A_54 : i32 to index
      %swap3A_56 = tpu.vector_load %arg5[%swap3A_55] {strides = array<i32>} : memref<65536xi32, #tpu.memory_space<vmem>>, vector<16xi32>,
      tpu.vector_store %arg5[%swap3A_55], %broadcast_in_dim3A_1 {strides = array<i32>} : memref<65536xi32, #tpu.memory_space<vmem>>, vector<16xi32>,
      %mul3A_57 = arith.constant 16 : i32
      %mul3A_58 = arith.muli %scan3A_17, %mul3A_57 : i32
      %add3A_59 = arith.constant 5 : i32
      %add3A_60 = arith.addi %mul3A_58, %add3A_59 : i32
      %mul3A_61 = arith.constant 16 : i32
      %mul3A_62 = arith.muli %add3A_60, %mul3A_61 : i32
      %swap3A_63 = arith.index_cast %mul3A_62 : i32 to index
      %swap3A_64 = tpu.vector_load %arg5[%swap3A_63] {strides = array<i32>} : memref<65536xi32, #tpu.memory_space<vmem>>, vector<16xi32>,
      tpu.vector_store %arg5[%swap3A_63], %broadcast_in_dim3A_1 {strides = array<i32>} : memref<65536xi32, #tpu.memory_space<vmem>>, vector<16xi32>,
      %mul3A_65 = arith.constant 16 : i32
      %mul3A_66 = arith.muli %scan3A_17, %mul3A_65 : i32
      %add3A_67 = arith.constant 6 : i32
      %add3A_68 = arith.addi %mul3A_66, %add3A_67 : i32
      %mul3A_69 = arith.constant 16 : i32
      %mul3A_70 = arith.muli %add3A_68, %mul3A_69 : i32
      %swap3A_71 = arith.index_cast %mul3A_70 : i32 to index
      %swap3A_72 = tpu.vector_load %arg5[%swap3A_71] {strides = array<i32>} : memref<65536xi32, #tpu.memory_space<vmem>>, vector<16xi32>,
      tpu.vector_store %arg5[%swap3A_71], %broadcast_in_dim3A_1 {strides = array<i32>} : memref<65536xi32, #tpu.memory_space<vmem>>, vector<16xi32>,
      %mul3A_73 = arith.constant 16 : i32
      %mul3A_74 = arith.muli %scan3A_17, %mul3A_73 : i32
      %add3A_75 = arith.constant 7 : i32
      %add3A_76 = arith.addi %mul3A_74, %add3A_75 : i32
      %mul3A_77 = arith.constant 16 : i32
      %mul3A_78 = arith.muli %add3A_76, %mul3A_77 : i32
      %swap3A_79 = arith.index_cast %mul3A_78 : i32 to index
      %swap3A_80 = tpu.vector_load %arg5[%swap3A_79] {strides = array<i32>} : memref<65536xi32, #tpu.memory_space<vmem>>, vector<16xi32>,
      tpu.vector_store %arg5[%swap3A_79], %broadcast_in_dim3A_1 {strides = array<i32>} : memref<65536xi32, #tpu.memory_space<vmem>>, vector<16xi32>,
      %mul3A_81 = arith.constant 16 : i32
      %mul3A_82 = arith.muli %scan3A_17, %mul3A_81 : i32
      %add3A_83 = arith.constant 8 : i32
      %add3A_84 = arith.addi %mul3A_82, %add3A_83 : i32
      %mul3A_85 = arith.constant 16 : i32
      %mul3A_86 = arith.muli %add3A_84, %mul3A_85 : i32
      %swap3A_87 = arith.index_cast %mul3A_86 : i32 to index
      %swap3A_88 = tpu.vector_load %arg5[%swap3A_87] {strides = array<i32>} : memref<65536xi32, #tpu.memory_space<vmem>>, vector<16xi32>,
      tpu.vector_store %arg5[%swap3A_87], %broadcast_in_dim3A_1 {strides = array<i32>} : memref<65536xi32, #tpu.memory_space<vmem>>, vector<16xi32>,
      %mul3A_89 = arith.constant 16 : i32
      %mul3A_90 = arith.muli %scan3A_17, %mul3A_89 : i32
      %add3A_91 = arith.constant 9 : i32
      %add3A_92 = arith.addi %mul3A_90, %add3A_91 : i32
      %mul3A_93 = arith.constant 16 : i32
      %mul3A_94 = arith.muli %add3A_92, %mul3A_93 : i32
      %swap3A_95 = arith.index_cast %mul3A_94 : i32 to index
      %swap3A_96 = tpu.vector_load %arg5[%swap3A_95] {strides = array<i32>} : memref<65536xi32, #tpu.memory_space<vmem>>, vector<16xi32>,
      tpu.vector_store %arg5[%swap3A_95], %broadcast_in_dim3A_1 {strides = array<i32>} : memref<65536xi32, #tpu.memory_space<vmem>>, vector<16xi32>,
      %mul3A_97 = arith.constant 16 : i32
      %mul3A_98 = arith.muli %scan3A_17, %mul3A_97 : i32
      %add3A_99 = arith.constant 10 : i32
      %add3A_100 = arith.addi %mul3A_98, %add3A_99 : i32
      %mul3A_101 = arith.constant 16 : i32
      %mul3A_102 = arith.muli %add3A_100, %mul3A_101 : i32
      %swap3A_103 = arith.index_cast %mul3A_102 : i32 to index
      %swap3A_104 = tpu.vector_load %arg5[%swap3A_103] {strides = array<i32>} : memref<65536xi32, #tpu.memory_space<vmem>>, vector<16xi32>,
      tpu.vector_store %arg5[%swap3A_103], %broadcast_in_dim3A_1 {strides = array<i32>} : memref<65536xi32, #tpu.memory_space<vmem>>, vector<16xi32>,
      %mul3A_105 = arith.constant 16 : i32
      %mul3A_106 = arith.muli %scan3A_17, %mul3A_105 : i32
      %add3A_107 = arith.constant 11 : i32
      %add3A_108 = arith.addi %mul3A_106, %add3A_107 : i32
      %mul3A_109 = arith.constant 16 : i32
      %mul3A_110 = arith.muli %add3A_108, %mul3A_109 : i32
      %swap3A_111 = arith.index_cast %mul3A_110 : i32 to index
      %swap3A_112 = tpu.vector_load %arg5[%swap3A_111] {strides = array<i32>} : memref<65536xi32, #tpu.memory_space<vmem>>, vector<16xi32>,
      tpu.vector_store %arg5[%swap3A_111], %broadcast_in_dim3A_1 {strides = array<i32>} : memref<65536xi32, #tpu.memory_space<vmem>>, vector<16xi32>,
      %mul3A_113 = arith.constant 16 : i32
      %mul3A_114 = arith.muli %scan3A_17, %mul3A_113 : i32
      %add3A_115 = arith.constant 12 : i32
      %add3A_116 = arith.addi %mul3A_114, %add3A_115 : i32
      %mul3A_117 = arith.constant 16 : i32
      %mul3A_118 = arith.muli %add3A_116, %mul3A_117 : i32
      %swap3A_119 = arith.index_cast %mul3A_118 : i32 to index
      %swap3A_120 = tpu.vector_load %arg5[%swap3A_119] {strides = array<i32>} : memref<65536xi32, #tpu.memory_space<vmem>>, vector<16xi32>,
      tpu.vector_store %arg5[%swap3A_119], %broadcast_in_dim3A_1 {strides = array<i32>} : memref<65536xi32, #tpu.memory_space<vmem>>, vector<16xi32>,
      %mul3A_121 = arith.constant 16 : i32
      %mul3A_122 = arith.muli %scan3A_17, %mul3A_121 : i32
      %add3A_123 = arith.constant 13 : i32
      %add3A_124 = arith.addi %mul3A_122, %add3A_123 : i32
      %mul3A_125 = arith.constant 16 : i32
      %mul3A_126 = arith.muli %add3A_124, %mul3A_125 : i32
      %swap3A_127 = arith.index_cast %mul3A_126 : i32 to index
      %swap3A_128 = tpu.vector_load %arg5[%swap3A_127] {strides = array<i32>} : memref<65536xi32, #tpu.memory_space<vmem>>, vector<16xi32>,
      tpu.vector_store %arg5[%swap3A_127], %broadcast_in_dim3A_1 {strides = array<i32>} : memref<65536xi32, #tpu.memory_space<vmem>>, vector<16xi32>,
      %mul3A_129 = arith.constant 16 : i32
      %mul3A_130 = arith.muli %scan3A_17, %mul3A_129 : i32
      %add3A_131 = arith.constant 14 : i32
      %add3A_132 = arith.addi %mul3A_130, %add3A_131 : i32
      %mul3A_133 = arith.constant 16 : i32
      %mul3A_134 = arith.muli %add3A_132, %mul3A_133 : i32
      %swap3A_135 = arith.index_cast %mul3A_134 : i32 to index
      %swap3A_136 = tpu.vector_load %arg5[%swap3A_135] {strides = array<i32>} : memref<65536xi32, #tpu.memory_space<vmem>>, vector<16xi32>,
      tpu.vector_store %arg5[%swap3A_135], %broadcast_in_dim3A_1 {strides = array<i32>} : memref<65536xi32, #tpu.memory_space<vmem>>, vector<16xi32>,
      %mul3A_137 = arith.constant 16 : i32
      %mul3A_138 = arith.muli %scan3A_17, %mul3A_137 : i32
      %add3A_139 = arith.constant 15 : i32
      %add3A_140 = arith.addi %mul3A_138, %add3A_139 : i32
      %mul3A_141 = arith.constant 16 : i32
      %mul3A_142 = arith.muli %add3A_140, %mul3A_141 : i32
      %swap3A_143 = arith.index_cast %mul3A_142 : i32 to index
      %swap3A_144 = tpu.vector_load %arg5[%swap3A_143] {strides = array<i32>} : memref<65536xi32, #tpu.memory_space<vmem>>, vector<16xi32>,
      tpu.vector_store %arg5[%swap3A_143], %broadcast_in_dim3A_1 {strides = array<i32>} : memref<65536xi32, #tpu.memory_space<vmem>>, vector<16xi32>,
    }
    %scan3A_8 = arith.constant 256 : i32
    %scan3A_9 = arith.constant 0 : i32
    %scan3A_10 = arith.constant 0 : i32
    %scan3A_11 = arith.constant 256 : i32
    %scan3A_12 = arith.addi %scan3A_10, %scan3A_11 : i32
    %scan3A_13 = arith.constant 1 : i32
    scf.for %scan3A_17 = %scan3A_10 to %scan3A_12 step %scan3A_13  : i32 {
      %mul3A_18 = arith.constant 16 : i32
      %mul3A_19 = arith.muli %scan3A_17, %mul3A_18 : i32
      %get3A = arith.index_cast %mul3A_19 : i32 to index
      %get3A_20 = tpu.vector_load %arg4[%get3A] {strides = array<i32>} : memref<4096xi32, #tpu.memory_space<vmem>>, vector<16xi32>,
      %sub3A = vector.broadcast %mul3A_3 : i32 to vector<16xi32>
      %sub3A_21 = arith.subi %get3A_20, %sub3A : vector<16xi32>
      %ge3A = arith.constant 0 : i32
      %ge3A_22 = vector.broadcast %ge3A : i32 to vector<16xi32>
      %ge3A_23 = arith.cmpi sge, %sub3A_21, %ge3A_22 : vector<16xi32>
      %lt3A = arith.constant 524288 : i32
      %lt3A_24 = vector.broadcast %lt3A : i32 to vector<16xi32>
      %lt3A_25 = arith.cmpi slt, %sub3A_21, %lt3A_24 : vector<16xi32>
      %and3A = arith.andi %ge3A_23, %lt3A_25 : vector<16xi1>
      %shift_right_arithmetic3A = arith.constant 3 : i32
      %shift_right_arithmetic3A_26 = vector.broadcast %shift_right_arithmetic3A : i32 to vector<16xi32>
      %shift_right_arithmetic3A_27 = arith.shrsi %sub3A_21, %shift_right_arithmetic3A_26 : vector<16xi32>
      %jit3A = arith.constant 0 : i32
      %jit3A_28 = arith.constant 65535 : i32
      %max3A = vector.broadcast %jit3A : i32 to vector<16xi32>
      %max3A_29 = arith.maxsi %max3A, %shift_right_arithmetic3A_27 : vector<16xi32>
      %min3A = vector.broadcast %jit3A_28 : i32 to vector<16xi32>
      %min3A_30 = arith.minsi %min3A, %max3A_29 : vector<16xi32>
      %and3A_31 = arith.constant 7 : i32
      %and3A_32 = vector.broadcast %and3A_31 : i32 to vector<16xi32>
      %and3A_33 = arith.andi %sub3A_21, %and3A_32 : vector<16xi32>
      %eq3A = arith.constant 0 : i32
      %eq3A_34 = vector.broadcast %eq3A : i32 to vector<16xi32>
      %eq3A_35 = arith.cmpi eq, %and3A_33, %eq3A_34 : vector<16xi32>
      %and3A_36 = arith.andi %and3A, %eq3A_35 : vector<16xi1>
      %gather3A = tpu.vector_load_idx %arg5[%min3A_30] masked %and3A_36 : memref<65536xi32, #tpu.memory_space<vmem>>[vector<16xi32>], vector<16xi32>, vector<16xi1>
      %or3A = arith.constant 1 : i32
      %or3A_37 = vector.broadcast %or3A : i32 to vector<16xi32>
      %or3A_38 = arith.ori %gather3A, %or3A_37 : vector<16xi32>
      tpu.vector_store_idx %arg5[%min3A_30], %or3A_38 masked %and3A_36 : memref<65536xi32, #tpu.memory_space<vmem>>[vector<16xi32>], vector<16xi32>, vector<16xi1>
      %eq3A_39 = arith.constant 1 : i32
      %eq3A_40 = vector.broadcast %eq3A_39 : i32 to vector<16xi32>
      %eq3A_41 = arith.cmpi eq, %and3A_33, %eq3A_40 : vector<16xi32>
      %and3A_42 = arith.andi %and3A, %eq3A_41 : vector<16xi1>
      %gather3A_43 = tpu.vector_load_idx %arg5[%min3A_30] masked %and3A_42 : memref<65536xi32, #tpu.memory_space<vmem>>[vector<16xi32>], vector<16xi32>, vector<16xi1>
      %or3A_44 = arith.constant 2 : i32
      %or3A_45 = vector.broadcast %or3A_44 : i32 to vector<16xi32>
      %or3A_46 = arith.ori %gather3A_43, %or3A_45 : vector<16xi32>
      tpu.vector_store_idx %arg5[%min3A_30], %or3A_46 masked %and3A_42 : memref<65536xi32, #tpu.memory_space<vmem>>[vector<16xi32>], vector<16xi32>, vector<16xi1>
      %eq3A_47 = arith.constant 2 : i32
      %eq3A_48 = vector.broadcast %eq3A_47 : i32 to vector<16xi32>
      %eq3A_49 = arith.cmpi eq, %and3A_33, %eq3A_48 : vector<16xi32>
      %and3A_50 = arith.andi %and3A, %eq3A_49 : vector<16xi1>
      %gather3A_51 = tpu.vector_load_idx %arg5[%min3A_30] masked %and3A_50 : memref<65536xi32, #tpu.memory_space<vmem>>[vector<16xi32>], vector<16xi32>, vector<16xi1>
      %or3A_52 = arith.constant 4 : i32
      %or3A_53 = vector.broadcast %or3A_52 : i32 to vector<16xi32>
      %or3A_54 = arith.ori %gather3A_51, %or3A_53 : vector<16xi32>
      tpu.vector_store_idx %arg5[%min3A_30], %or3A_54 masked %and3A_50 : memref<65536xi32, #tpu.memory_space<vmem>>[vector<16xi32>], vector<16xi32>, vector<16xi1>
      %eq3A_55 = arith.constant 3 : i32
      %eq3A_56 = vector.broadcast %eq3A_55 : i32 to vector<16xi32>
      %eq3A_57 = arith.cmpi eq, %and3A_33, %eq3A_56 : vector<16xi32>
      %and3A_58 = arith.andi %and3A, %eq3A_57 : vector<16xi1>
      %gather3A_59 = tpu.vector_load_idx %arg5[%min3A_30] masked %and3A_58 : memref<65536xi32, #tpu.memory_space<vmem>>[vector<16xi32>], vector<16xi32>, vector<16xi1>
      %or3A_60 = arith.constant 8 : i32
      %or3A_61 = vector.broadcast %or3A_60 : i32 to vector<16xi32>
      %or3A_62 = arith.ori %gather3A_59, %or3A_61 : vector<16xi32>
      tpu.vector_store_idx %arg5[%min3A_30], %or3A_62 masked %and3A_58 : memref<65536xi32, #tpu.memory_space<vmem>>[vector<16xi32>], vector<16xi32>, vector<16xi1>
      %eq3A_63 = arith.constant 4 : i32
      %eq3A_64 = vector.broadcast %eq3A_63 : i32 to vector<16xi32>
      %eq3A_65 = arith.cmpi eq, %and3A_33, %eq3A_64 : vector<16xi32>
      %and3A_66 = arith.andi %and3A, %eq3A_65 : vector<16xi1>
      %gather3A_67 = tpu.vector_load_idx %arg5[%min3A_30] masked %and3A_66 : memref<65536xi32, #tpu.memory_space<vmem>>[vector<16xi32>], vector<16xi32>, vector<16xi1>
      %or3A_68 = arith.constant 16 : i32
      %or3A_69 = vector.broadcast %or3A_68 : i32 to vector<16xi32>
      %or3A_70 = arith.ori %gather3A_67, %or3A_69 : vector<16xi32>
      tpu.vector_store_idx %arg5[%min3A_30], %or3A_70 masked %and3A_66 : memref<65536xi32, #tpu.memory_space<vmem>>[vector<16xi32>], vector<16xi32>, vector<16xi1>
      %eq3A_71 = arith.constant 5 : i32
      %eq3A_72 = vector.broadcast %eq3A_71 : i32 to vector<16xi32>
      %eq3A_73 = arith.cmpi eq, %and3A_33, %eq3A_72 : vector<16xi32>
      %and3A_74 = arith.andi %and3A, %eq3A_73 : vector<16xi1>
      %gather3A_75 = tpu.vector_load_idx %arg5[%min3A_30] masked %and3A_74 : memref<65536xi32, #tpu.memory_space<vmem>>[vector<16xi32>], vector<16xi32>, vector<16xi1>
      %or3A_76 = arith.constant 32 : i32
      %or3A_77 = vector.broadcast %or3A_76 : i32 to vector<16xi32>
      %or3A_78 = arith.ori %gather3A_75, %or3A_77 : vector<16xi32>
      tpu.vector_store_idx %arg5[%min3A_30], %or3A_78 masked %and3A_74 : memref<65536xi32, #tpu.memory_space<vmem>>[vector<16xi32>], vector<16xi32>, vector<16xi1>
      %eq3A_79 = arith.constant 6 : i32
      %eq3A_80 = vector.broadcast %eq3A_79 : i32 to vector<16xi32>
      %eq3A_81 = arith.cmpi eq, %and3A_33, %eq3A_80 : vector<16xi32>
      %and3A_82 = arith.andi %and3A, %eq3A_81 : vector<16xi1>
      %gather3A_83 = tpu.vector_load_idx %arg5[%min3A_30] masked %and3A_82 : memref<65536xi32, #tpu.memory_space<vmem>>[vector<16xi32>], vector<16xi32>, vector<16xi1>
      %or3A_84 = arith.constant 64 : i32
      %or3A_85 = vector.broadcast %or3A_84 : i32 to vector<16xi32>
      %or3A_86 = arith.ori %gather3A_83, %or3A_85 : vector<16xi32>
      tpu.vector_store_idx %arg5[%min3A_30], %or3A_86 masked %and3A_82 : memref<65536xi32, #tpu.memory_space<vmem>>[vector<16xi32>], vector<16xi32>, vector<16xi1>
      %eq3A_87 = arith.constant 7 : i32
      %eq3A_88 = vector.broadcast %eq3A_87 : i32 to vector<16xi32>
      %eq3A_89 = arith.cmpi eq, %and3A_33, %eq3A_88 : vector<16xi32>
      %and3A_90 = arith.andi %and3A, %eq3A_89 : vector<16xi1>
      %gather3A_91 = tpu.vector_load_idx %arg5[%min3A_30] masked %and3A_90 : memref<65536xi32, #tpu.memory_space<vmem>>[vector<16xi32>], vector<16xi32>, vector<16xi1>
      %or3A_92 = arith.constant 128 : i32
      %or3A_93 = vector.broadcast %or3A_92 : i32 to vector<16xi32>
      %or3A_94 = arith.ori %gather3A_91, %or3A_93 : vector<16xi32>
      tpu.vector_store_idx %arg5[%min3A_30], %or3A_94 masked %and3A_90 : memref<65536xi32, #tpu.memory_space<vmem>>[vector<16xi32>], vector<16xi32>, vector<16xi1>
    }
    %scan3A_14 = arith.constant 256 : i32
    %mul3A_15 = arith.constant 65536 : i32
    %mul3A_16 = arith.muli %add3A, %mul3A_15 : i32
    "tpu.region"() ({
      %run_scoped3A = tpu.sem_alloc : memref<!tpu.dma_semaphore, #tpu.memory_space<semaphore_mem>>
      %dma_start3A = tpu.memref_slice %arg3[%mul3A_16] : memref<2097152xi32, #tpu.memory_space<hbm>> -> memref<65536xi32, #tpu.memory_space<hbm>>
      %dma_start3A_17 = tpu.memref_slice %arg3[%mul3A_16] : memref<2097152xi32, #tpu.memory_space<hbm>> -> memref<65536xi32, #tpu.memory_space<hbm>>
      tpu.enqueue_dma source(%arg5 : memref<65536xi32, #tpu.memory_space<vmem>>) target(%dma_start3A_17 : memref<65536xi32, #tpu.memory_space<hbm>>) target_semaphore(%run_scoped3A : memref<!tpu.dma_semaphore, #tpu.memory_space<semaphore_mem>>)
      %dma_wait3A = tpu.memref_slice %arg3[%mul3A_16] : memref<2097152xi32, #tpu.memory_space<hbm>> -> memref<65536xi32, #tpu.memory_space<hbm>>
      %dma_wait3A_18 = tpu.memref_slice %arg3[%mul3A_16] : memref<2097152xi32, #tpu.memory_space<hbm>> -> memref<65536xi32, #tpu.memory_space<hbm>>
      tpu.wait_dma2 semaphore(%run_scoped3A : memref<!tpu.dma_semaphore, #tpu.memory_space<semaphore_mem>>) src(%arg5 : memref<65536xi32, #tpu.memory_space<vmem>>) dst(%dma_wait3A_18 : memref<65536xi32, #tpu.memory_space<hbm>>)
      tpu.yield
    }) : () -> ()
    return
  }
}

module attributes {stable_mosaic.version = 14 : i64} {
  func.func @_mlp_body(%arg0: i32, %arg1: memref<169x1024xf32, #tpu.memory_space<vmem>>, %arg2: memref<169x2048xf32, #tpu.memory_space<vmem>>, %arg3: memref<1x2048xf32, #tpu.memory_space<vmem>>, %arg4: memref<2048x1024xf32, #tpu.memory_space<vmem>>, %arg5: memref<1x1024xf32, #tpu.memory_space<vmem>>, %arg6: memref<1024x1024xf32, #tpu.memory_space<vmem>>, %arg7: memref<169x2048xbf16, #tpu.memory_space<vmem>>, %arg8: memref<2048x1024xbf16, #tpu.memory_space<vmem>>) attributes {dimension_semantics = [#tpu.dimension_semantics<arbitrary>], iteration_bounds = array<i64: 16>, scalar_prefetch = 0 : i64, scratch_operands = 2 : i64, tpu.core_type = #tpu.core_type<tc>, window_params = [{transform_indices = @transform_0, window_bounds = array<i64: 169, 1024>}, {pipeline_mode = #tpu.pipeline_mode<synchronous>, transform_indices = @transform_1, window_bounds = array<i64: 169, 2048>}, {pipeline_mode = #tpu.pipeline_mode<synchronous>, transform_indices = @transform_2, window_bounds = array<i64: 1, 2048>}, {pipeline_mode = #tpu.pipeline_mode<synchronous>, transform_indices = @transform_3, window_bounds = array<i64: 2048, 1024>}, {pipeline_mode = #tpu.pipeline_mode<synchronous>, transform_indices = @transform_4, window_bounds = array<i64: 1, 1024>}, {transform_indices = @transform_5, window_bounds = array<i64: 1024, 1024>}]} {
    %eq3A = arith.constant 0 : i32
    %eq3A_0 = arith.cmpi eq, %arg0, %eq3A : i32
    %convert_element_type3A = arith.extui %eq3A_0 : i1 to i32
    %cond3A = arith.constant 0 : i32
    %cond3A_1 = arith.cmpi ne, %convert_element_type3A, %cond3A : i32
    scf.if %cond3A_1 {
      %get3A_28 = arith.constant 0 : index
      %get3A_29 = arith.constant 0 : index
      %get3A_30 = vector.load %arg2[%get3A_28, %get3A_29] : memref<169x2048xf32, #tpu.memory_space<vmem>>, vector<169x2048xf32>
      %convert_element_type3A_31 = arith.truncf %get3A_30 : vector<169x2048xf32> to vector<169x2048xbf16>
      %swap3A_32 = arith.constant 0 : index
      %swap3A_33 = arith.constant 0 : index
      %swap3A_34 = vector.load %arg7[%swap3A_32, %swap3A_33] : memref<169x2048xbf16, #tpu.memory_space<vmem>>, vector<169x2048xbf16>
      tpu.vector_store %arg7[%swap3A_32, %swap3A_33], %convert_element_type3A_31 {strides = array<i32>} : memref<169x2048xbf16, #tpu.memory_space<vmem>>, vector<169x2048xbf16>,
      %get3A_35 = arith.constant 0 : index
      %get3A_36 = arith.constant 0 : index
      %get3A_37 = vector.load %arg4[%get3A_35, %get3A_36] : memref<2048x1024xf32, #tpu.memory_space<vmem>>, vector<2048x1024xf32>
      %convert_element_type3A_38 = arith.truncf %get3A_37 : vector<2048x1024xf32> to vector<2048x1024xbf16>
      %swap3A_39 = arith.constant 0 : index
      %swap3A_40 = arith.constant 0 : index
      %swap3A_41 = vector.load %arg8[%swap3A_39, %swap3A_40] : memref<2048x1024xbf16, #tpu.memory_space<vmem>>, vector<2048x1024xbf16>
      tpu.vector_store %arg8[%swap3A_39, %swap3A_40], %convert_element_type3A_38 {strides = array<i32>} : memref<2048x1024xbf16, #tpu.memory_space<vmem>>, vector<2048x1024xbf16>,
    } else {
    }
    %get3A = arith.constant 0 : index
    %get3A_2 = arith.constant 0 : index
    %get3A_3 = vector.load %arg1[%get3A, %get3A_2] : memref<169x1024xf32, #tpu.memory_space<vmem>>, vector<169x1024xf32>
    %convert_element_type3A_4 = arith.truncf %get3A_3 : vector<169x1024xf32> to vector<169x1024xbf16>
    %get3A_5 = arith.constant 0 : index
    %get3A_6 = arith.constant 0 : index
    %get3A_7 = vector.load %arg7[%get3A_5, %get3A_6] : memref<169x2048xbf16, #tpu.memory_space<vmem>>, vector<169x2048xbf16>
    %dot_general3A = arith.constant dense<0.000000e+00> : vector<1024x2048xf32>
    %dot_general3A_8 = tpu.matmul %convert_element_type3A_4, %get3A_7, %dot_general3A {dimension_numbers = #tpu.dot_dimension_numbers<[0], [0], [1], [1], [0, 1, 1, 1], [], []>, transpose_lhs_hint = false} : vector<169x1024xbf16>, vector<169x2048xbf16>, vector<1024x2048xf32> -> vector<1024x2048xf32>
    %get3A_9 = arith.constant 0 : index
    %get3A_10 = arith.constant 0 : index
    %get3A_11 = vector.load %arg3[%get3A_9, %get3A_10] : memref<1x2048xf32, #tpu.memory_space<vmem>>, vector<1x2048xf32>
    %add3A = vector.broadcast %get3A_11 : vector<1x2048xf32> to vector<1024x2048xf32>
    %add3A_12 = arith.addf %dot_general3A_8, %add3A : vector<1024x2048xf32>
    %max3A = arith.constant 0.000000e+00 : f32
    %max3A_13 = vector.broadcast %max3A : f32 to vector<1024x2048xf32>
    %max3A_14 = arith.maximumf %add3A_12, %max3A_13 : vector<1024x2048xf32>
    %convert_element_type3A_15 = arith.truncf %max3A_14 : vector<1024x2048xf32> to vector<1024x2048xbf16>
    %get3A_16 = arith.constant 0 : index
    %get3A_17 = arith.constant 0 : index
    %get3A_18 = vector.load %arg8[%get3A_16, %get3A_17] : memref<2048x1024xbf16, #tpu.memory_space<vmem>>, vector<2048x1024xbf16>
    %dot_general3A_19 = arith.constant dense<0.000000e+00> : vector<1024x1024xf32>
    %dot_general3A_20 = tpu.matmul %convert_element_type3A_15, %get3A_18, %dot_general3A_19 {dimension_numbers = #tpu.dot_dimension_numbers<[1], [0], [0], [1], [0, 0, 1, 1], [], []>, transpose_lhs_hint = false} : vector<1024x2048xbf16>, vector<2048x1024xbf16>, vector<1024x1024xf32> -> vector<1024x1024xf32>
    %get3A_21 = arith.constant 0 : index
    %get3A_22 = arith.constant 0 : index
    %get3A_23 = vector.load %arg5[%get3A_21, %get3A_22] : memref<1x1024xf32, #tpu.memory_space<vmem>>, vector<1x1024xf32>
    %add3A_24 = vector.broadcast %get3A_23 : vector<1x1024xf32> to vector<1024x1024xf32>
    %add3A_25 = arith.addf %dot_general3A_20, %add3A_24 : vector<1024x1024xf32>
    %swap3A = arith.constant 0 : index
    %swap3A_26 = arith.constant 0 : index
    %swap3A_27 = vector.load %arg6[%swap3A, %swap3A_26] : memref<1024x1024xf32, #tpu.memory_space<vmem>>, vector<1024x1024xf32>
    tpu.vector_store %arg6[%swap3A, %swap3A_26], %add3A_25 {strides = array<i32>} : memref<1024x1024xf32, #tpu.memory_space<vmem>>, vector<1024x1024xf32>,
    return
  }
  func.func @transform_0(%arg0: i32) -> (i32, i32) {
    %c0_i32 = arith.constant 0 : i32
    %c0_i32_0 = arith.constant 0 : i32
    return %c0_i32, %arg0 : i32, i32
  }
  func.func @transform_1(%arg0: i32) -> (i32, i32) {
    %c0_i32 = arith.constant 0 : i32
    %c0_i32_0 = arith.constant 0 : i32
    %c0_i32_1 = arith.constant 0 : i32
    return %c0_i32, %c0_i32_0 : i32, i32
  }
  func.func @transform_2(%arg0: i32) -> (i32, i32) {
    %c0_i32 = arith.constant 0 : i32
    %c0_i32_0 = arith.constant 0 : i32
    %c0_i32_1 = arith.constant 0 : i32
    return %c0_i32, %c0_i32_0 : i32, i32
  }
  func.func @transform_3(%arg0: i32) -> (i32, i32) {
    %c0_i32 = arith.constant 0 : i32
    %c0_i32_0 = arith.constant 0 : i32
    %c0_i32_1 = arith.constant 0 : i32
    return %c0_i32, %c0_i32_0 : i32, i32
  }
  func.func @transform_4(%arg0: i32) -> (i32, i32) {
    %c0_i32 = arith.constant 0 : i32
    %c0_i32_0 = arith.constant 0 : i32
    %c0_i32_1 = arith.constant 0 : i32
    return %c0_i32, %c0_i32_0 : i32, i32
  }
  func.func @transform_5(%arg0: i32) -> (i32, i32) {
    %c0_i32 = arith.constant 0 : i32
    %c0_i32_0 = arith.constant 0 : i32
    return %arg0, %c0_i32 : i32, i32
  }
}

module attributes {stable_mosaic.version = 14 : i64} {
  func.func @_top1_body(%arg0: i32, %arg1: memref<2048x1024xf32, #tpu.memory_space<vmem>>, %arg2: memref<256x8x128xi32, #tpu.memory_space<vmem>>, %arg3: memref<16x128xi32, #tpu.memory_space<vmem>>, %arg4: memref<16x128xf32, #tpu.memory_space<vmem>>) attributes {dimension_semantics = [#tpu.dimension_semantics<arbitrary>], iteration_bounds = array<i64: 8>, scalar_prefetch = 0 : i64, scratch_operands = 0 : i64, tpu.core_type = #tpu.core_type<tc>, window_params = [{transform_indices = @transform_0, window_bounds = array<i64: 2048, 1024>}, {transform_indices = @transform_1, window_bounds = array<i64: 256, 8, 128>}, {transform_indices = @transform_2, window_bounds = array<i64: 16, 128>}, {transform_indices = @transform_3, window_bounds = array<i64: 16, 128>}]} {
    %get3A = arith.constant 0 : index
    %get3A_0 = arith.constant 0 : index
    %get3A_1 = vector.load %arg1[%get3A, %get3A_0] : memref<2048x1024xf32, #tpu.memory_space<vmem>>, vector<2048x1024xf32>
    %get3A_2 = arith.constant 0 : index
    %get3A_3 = arith.constant 0 : index
    %get3A_4 = arith.constant 0 : index
    %get3A_5 = vector.load %arg2[%get3A_2, %get3A_3, %get3A_4] : memref<256x8x128xi32, #tpu.memory_space<vmem>>, vector<256x8x128xi32>
    %reshape3A = vector.shape_cast %get3A_5 : vector<256x8x128xi32> to vector<2048x128xi32>
    %iota3A = tpu.iota {dimensions = array<i32: 0>} : vector<128x1024xi32>
    %iota3A_6 = tpu.iota {dimensions = array<i32: 1>} : vector<128x1024xi32>
    %shift_right_arithmetic3A = arith.constant 3 : i32
    %shift_right_arithmetic3A_7 = vector.broadcast %shift_right_arithmetic3A : i32 to vector<128x1024xi32>
    %shift_right_arithmetic3A_8 = arith.shrsi %iota3A_6, %shift_right_arithmetic3A_7 : vector<128x1024xi32>
    %eq3A = arith.cmpi eq, %shift_right_arithmetic3A_8, %iota3A : vector<128x1024xi32>
    %convert_element_type3A = arith.extui %eq3A : vector<128x1024xi1> to vector<128x1024xi32>
    %convert_element_type3A_9 = arith.sitofp %convert_element_type3A : vector<128x1024xi32> to vector<128x1024xf32>
    %convert_element_type3A_10 = arith.truncf %convert_element_type3A_9 : vector<128x1024xf32> to vector<128x1024xbf16>
    %convert_element_type3A_11 = arith.sitofp %reshape3A : vector<2048x128xi32> to vector<2048x128xbf16>
    %dot_general3A = arith.constant dense<0.000000e+00> : vector<2048x1024xf32>
    %dot_general3A_12 = tpu.matmul %convert_element_type3A_11, %convert_element_type3A_10, %dot_general3A {dimension_numbers = #tpu.dot_dimension_numbers<[1], [0], [0], [1], [0, 0, 1, 1], [], []>, transpose_lhs_hint = false} : vector<2048x128xbf16>, vector<128x1024xbf16>, vector<2048x1024xf32> -> vector<2048x1024xf32>
    %convert_element_type3A_13 = arith.fptosi %dot_general3A_12 : vector<2048x1024xf32> to vector<2048x1024xi32>
    %iota3A_14 = tpu.iota {dimensions = array<i32: 1>} : vector<2048x1024xi32>
    %and3A = arith.constant 7 : i32
    %and3A_15 = vector.broadcast %and3A : i32 to vector<2048x1024xi32>
    %and3A_16 = arith.andi %iota3A_14, %and3A_15 : vector<2048x1024xi32>
    %shift_right_logical3A = arith.shrui %convert_element_type3A_13, %and3A_16 : vector<2048x1024xi32>
    %and3A_17 = arith.constant 1 : i32
    %and3A_18 = vector.broadcast %and3A_17 : i32 to vector<2048x1024xi32>
    %and3A_19 = arith.andi %shift_right_logical3A, %and3A_18 : vector<2048x1024xi32>
    %ne3A = arith.constant 0 : i32
    %ne3A_20 = vector.broadcast %ne3A : i32 to vector<2048x1024xi32>
    %ne3A_21 = arith.cmpi ne, %and3A_19, %ne3A_20 : vector<2048x1024xi32>
    %jit3A = arith.constant -3.40282347E+38 : f32
    %broadcast_in_dim3A = vector.broadcast %jit3A : f32 to vector<2048x1024xf32>
    %select_n3A = arith.select %ne3A_21, %broadcast_in_dim3A, %get3A_1 : vector<2048x1024xi1>, vector<2048x1024xf32>
    %reduce_max3A = arith.constant dense<0xFF800000> : vector<2048xf32>
    %reduce_max3A_22 = vector.multi_reduction <maximumf>, %select_n3A, %reduce_max3A [1] : vector<2048x1024xf32> to vector<2048xf32>
    %broadcast_in_dim3A_23 = vector.shape_cast %reduce_max3A_22 : vector<2048xf32> to vector<2048x1xf32>
    %eq3A_24 = vector.broadcast %broadcast_in_dim3A_23 : vector<2048x1xf32> to vector<2048x1024xf32>
    %eq3A_25 = arith.cmpf oeq, %select_n3A, %eq3A_24 : vector<2048x1024xf32>
    %jit3A_26 = arith.constant 1024 : i32
    %broadcast_in_dim3A_27 = vector.broadcast %jit3A_26 : i32 to vector<2048x1024xi32>
    %select_n3A_28 = arith.select %eq3A_25, %iota3A_14, %broadcast_in_dim3A_27 : vector<2048x1024xi1>, vector<2048x1024xi32>
    %reduce_min3A = arith.constant dense<2147483647> : vector<2048xi32>
    %reduce_min3A_29 = vector.multi_reduction <minsi>, %select_n3A_28, %reduce_min3A [1] : vector<2048x1024xi32> to vector<2048xi32>
    %broadcast_in_dim3A_30 = vector.shape_cast %reduce_min3A_29 : vector<2048xi32> to vector<2048x1xi32>
    %reshape3A_31 = vector.shape_cast %broadcast_in_dim3A_30 : vector<2048x1xi32> to vector<16x128xi32>
    %swap3A = arith.constant 0 : index
    %swap3A_32 = arith.constant 0 : index
    %swap3A_33 = vector.load %arg3[%swap3A, %swap3A_32] : memref<16x128xi32, #tpu.memory_space<vmem>>, vector<16x128xi32>
    tpu.vector_store %arg3[%swap3A, %swap3A_32], %reshape3A_31 {strides = array<i32>} : memref<16x128xi32, #tpu.memory_space<vmem>>, vector<16x128xi32>,
    %reshape3A_34 = vector.shape_cast %broadcast_in_dim3A_23 : vector<2048x1xf32> to vector<16x128xf32>
    %swap3A_35 = arith.constant 0 : index
    %swap3A_36 = arith.constant 0 : index
    %swap3A_37 = vector.load %arg4[%swap3A_35, %swap3A_36] : memref<16x128xf32, #tpu.memory_space<vmem>>, vector<16x128xf32>
    tpu.vector_store %arg4[%swap3A_35, %swap3A_36], %reshape3A_34 {strides = array<i32>} : memref<16x128xf32, #tpu.memory_space<vmem>>, vector<16x128xf32>,
    return
  }
  func.func @transform_0(%arg0: i32) -> (i32, i32) {
    %c0_i32 = arith.constant 0 : i32
    %c0_i32_0 = arith.constant 0 : i32
    return %arg0, %c0_i32 : i32, i32
  }
  func.func @transform_1(%arg0: i32) -> (i32, i32, i32) {
    %c0_i32 = arith.constant 0 : i32
    %c0_i32_0 = arith.constant 0 : i32
    %c0_i32_1 = arith.constant 0 : i32
    return %arg0, %c0_i32, %c0_i32_0 : i32, i32, i32
  }
  func.func @transform_2(%arg0: i32) -> (i32, i32) {
    %c0_i32 = arith.constant 0 : i32
    %c0_i32_0 = arith.constant 0 : i32
    return %arg0, %c0_i32 : i32, i32
  }
  func.func @transform_3(%arg0: i32) -> (i32, i32) {
    %c0_i32 = arith.constant 0 : i32
    %c0_i32_0 = arith.constant 0 : i32
    return %arg0, %c0_i32 : i32, i32
  }
}

</mosaic_0001>

<sc_bundles>
// kernel: kernel.5.cloned.1.call-start
scs
__scs_entry_jumppad:
0x0: {  	(pc) =	sbr.rel $0x88, $3  }
0x1: {  	(tag) =	ssettag $0x0;
	lr =	simm.s32 $0x1  }
0x2: {  	[smem:$0x3F9B] =	sst lr;
	_ =	strace $0xD0000000  }
0x3: {  	_ = 	snop  }
0x4: {  	_ = 	snop  }
0x5: {  	_ = 	snop  }
0x6: {  	_ = 	snop  }
0x7: {  	_ = 	snop  }
__scs_overlays_trampoline_lowered:
0x8: {  	[smem:$0x3FAA] =	sst s0  }
0x9: {  	[smem:$0x3FAB] =	sst s1  }
0xa: {  	[smem:$0x3FAC] =	sst s2  }
0xb: {  	[smem:$0x3FAD] =	sst s3  }
0xc: {  	[smem:$0x3FAE] =	sst s4  }
0xd: {  	[smem:$0x3FAF] =	sst s5  }
0xe: {  	[smem:$0x3FB0] =	sst s6  }
0xf: {  	[smem:$0x3FB1] =	sst s7  }
0x10: {  	[smem:$0x3FB2] =	sst s8  }
0x11: {  	[smem:$0x3FB3] =	sst s9;
	s0 =	simm.s32 @!p0 $0x0  }
0x12: {  	s1 =	sld [smem:$0x3F99];
	s0 =	simm.s32 @p0 $0x1  }
0x13: {  	[smem:$0x3FB4] =	sst s0;
	s0 =	simm.s32 @!p1 $0x0  }
0x14: {  	s2 =	sld [smem:$0x3F98];
	s0 =	simm.s32 @p1 $0x1  }
0x15: {  	[smem:$0x3FB5] =	sst s0;
	s0 =	simm.s32 @!p2 $0x0  }
0x16: {  	s3 =	sld [smem:$0x3FDB];
	s0 =	simm.s32 @p2 $0x1  }
0x17: {  	s4 =	simm.s32 $0x1BF5;
	[smem:$0x3FB7] =	sst s0  }
0x18: {  	s0 =	sld [smem:$0x3F9A];
	_ =	swait.ge [sflag:s4], $0x0  }
0x19: {  	s7 =	sld [smem:$0x3F9B]  }
0x1a: {  	s8 =	sadd.s32 $0xFFFFE003, lr  }
0x1b: {  	s9 =	sadd.s32 $0xFFFFFEF7, lr;
	s5 =	simm.s32 $0xFFFFFFFF;
	p2 =	slt.u32 s8, $0xFFFFF086  }
0x1c: {  	p1 =	slt.u32 s9, $0xF7A;
	s5 =	simm.s32 @!p2 $0x0  }
0x1d: {  	s5 =	simm.s32 @p1 $0x1;
	p0 =	seq.s32 s7, s2  }
0x1e: {  	s7 =	smul.u32 @!p0 $0xF7A, s2;
	p2 =	seq.s32 @!p0 s5, $0x0  }
0x1f: {  	s9 =	smul.u32 $0xF7A, s1;
	s8 =	simm.s32 @!p0 $0x1BF5;
	p2 =	por !p2, p0  }
0x20: {  	[sflag:s8] =	ssyncset.s32 @!p0 $0xFFFFF086;
	s6 =	sadd.s32 @!p0 s3, s7;
	s7 =	simm.s32 @!p0 $0x108  }
0x21: {  	s3 =	sadd.s32 s3, s9;
	s6 =	sadd.s32 @!p0 $0x88, s6;
	s7 =	simm.s32 @p2 $0x1082  }
0x22: {  	[simem:s7], [sflag:s8] =	dma.local @!p0 [hbm:s6], $0xF7A  }
0x23: {  	s9 =	sor.u32 $0xD0000000, s2;
	s6 =	simm.s32 $0x108;
	_ =	swait.ge @!p0 [sflag:s8], $0x0  }
0x24: {  	s3 =	sadd.s32 $0x88, s3;
	s6 =	simm.s32 @!p1 $0x1082;
	[sflag:s4] =	ssyncset.s32 $0xFFFFF086  }
0x25: {  	[simem:s6], [sflag:s4] =	dma.local [hbm:s3], $0xF7A  }
0x26: {  	[smem:$0x3F9B] =	sst s1;
	(tag) =	ssettag s2;
	_ =	strace s9  }
0x27: {  	s1 =	sld [smem:$0x3FAB]  }
0x28: {  	s2 =	sld [smem:$0x3FAC]  }
0x29: {  	s4 =	sld [smem:$0x3FAE]  }
0x2a: {  	p0 =	seq.s32 s5, $0x0;
	s5 =	sld [smem:$0x3FAF]  }
0x2b: {  	s6 =	sld [smem:$0x3FB0]  }
0x2c: {  	s7 =	sld [smem:$0x3FB1]  }
0x2d: {  	s3 =	simm.s32 $0x108;
	s8 =	sld [smem:$0x3FB2]  }
0x2e: {  	s3 =	simm.s32 @!p0 $0x1082;
	s9 =	sld [smem:$0x3FB3]  }
0x2f: {  	lr =	sadd.s32 s0, s3;
	s0 =	sld [smem:$0x3FAA]  }
0x30: {  	s3 =	sld [smem:$0x3FAD]  }
0x31: {  	[smem:$0x3FB6] =	sst s10  }
0x32: {  	s10 =	sld [smem:$0x3FB4];
	_ =	sdelay $0x3  }
0x33: {  	p0 =	seq.s32 s10, $0x1;
	s10 =	sld [smem:$0x3FB6];
	_ =	sdelay $0x3  }
0x34: {  	[smem:$0x3FB6] =	sst s10  }
0x35: {  	s10 =	sld [smem:$0x3FB5];
	_ =	sdelay $0x3  }
0x36: {  	p1 =	seq.s32 s10, $0x1;
	s10 =	sld [smem:$0x3FB6];
	_ =	sdelay $0x3  }
0x37: {  	[smem:$0x3FB6] =	sst s10  }
0x38: {  	s10 =	sld [smem:$0x3FB7]  }
0x39: {  	_ = 	snop;
	(pc) =	sbr.ind lr, $3  }
0x3a: {  	_ = 	snop  }
0x3b: {  	_ = 	snop  }
0x3c: {  	p2 =	seq.s32 s10, $0x1;
	s10 =	sld [smem:$0x3FB6]  }
0x3d: {  	_ =	shalt  }
0x3e: {  	_ =	shalt  }
0x3f: {  	_ =	shalt  }
0x40: {  	_ =	shalt  }
0x41: {  	_ =	shalt  }
0x42: {  	_ =	shalt  }
0x43: {  	_ =	shalt  }
0x44: {  	_ =	shalt  }
0x45: {  	_ =	shalt  }
0x46: {  	_ =	shalt  }
0x47: {  	_ =	shalt  }
0x48: {  	_ =	shalt  }
0x49: {  	_ =	shalt  }
0x4a: {  	_ =	shalt  }
0x4b: {  	_ =	shalt  }
0x4c: {  	_ =	shalt  }
0x4d: {  	_ =	shalt  }
0x4e: {  	_ =	shalt  }
0x4f: {  	_ =	shalt  }
0x50: {  	_ =	shalt  }
0x51: {  	_ =	shalt  }
0x52: {  	_ =	shalt  }
0x53: {  	_ =	shalt  }
0x54: {  	_ =	shalt  }
0x55: {  	_ =	shalt  }
0x56: {  	_ =	shalt  }
0x57: {  	_ =	shalt  }
0x58: {  	_ =	shalt  }
0x59: {  	_ =	shalt  }
0x5a: {  	_ =	shalt  }
0x5b: {  	_ =	shalt  }
0x5c: {  	_ =	shalt  }
0x5d: {  	_ =	shalt  }
0x5e: {  	_ =	shalt  }
0x5f: {  	_ =	shalt  }
0x60: {  	_ =	shalt  }
0x61: {  	_ =	shalt  }
0x62: {  	_ =	shalt  }
0x63: {  	_ =	shalt  }
0x64: {  	_ =	shalt  }
0x65: {  	_ =	shalt  }
0x66: {  	_ =	shalt  }
0x67: {  	_ =	shalt  }
0x68: {  	_ =	shalt  }
0x69: {  	_ =	shalt  }
0x6a: {  	_ =	shalt  }
0x6b: {  	_ =	shalt  }
0x6c: {  	_ =	shalt  }
0x6d: {  	_ =	shalt  }
0x6e: {  	_ =	shalt  }
0x6f: {  	_ =	shalt  }
0x70: {  	_ =	shalt  }
0x71: {  	_ =	shalt  }
0x72: {  	_ =	shalt  }
0x73: {  	_ =	shalt  }
0x74: {  	_ =	shalt  }
0x75: {  	_ =	shalt  }
0x76: {  	_ =	shalt  }
0x77: {  	_ =	shalt  }
0x78: {  	_ =	shalt  }
0x79: {  	_ =	shalt  }
0x7a: {  	_ =	shalt  }
0x7b: {  	_ =	shalt  }
0x7c: {  	_ =	shalt  }
0x7d: {  	_ =	shalt  }
0x7e: {  	_ =	shalt  }
0x7f: {  	_ =	shalt  }
0x80: {  	_ =	shalt  }
0x81: {  	_ =	shalt  }
0x82: {  	_ =	shalt  }
0x83: {  	_ =	shalt  }
0x84: {  	_ =	shalt  }
0x85: {  	_ =	shalt  }
0x86: {  	_ =	shalt  }
0x87: {  	_ =	shalt  }
.Lfunc_end0:
.L_simem_size_0:
called_computation_lowered:
.L_overlay_start_0:
0x88: {  	s2 =	sld [smem:$0x3FD9]  }
0x89: {  	s3 =	sld [smem:$0x3FFE];
	_ =	sdelay $0x1  }
0x8a: {  	s1 =	srdreg.scid  }
0x8b: {  	s0 =	sand.u32 $0x1, s1  }
0x8c: {  	s17 =	sshll.u32 s0, $0xA;
	s2 =	sadd.s32 s3, s2  }
0x8d: {  	s2 =	sadd.s32 s2, s17  }
0x8e: {  	[smem:$0x3FC2] =	sst s2  }
0x8f: {  	_ = 	snop  }
0x90: {  	s2 =	sld [smem:$0x3FC8];
	(tm) =	ssettm $0x1  }
0x91: {  	s18 =	sld [smem:$0x3FFB];
	_ =	sdelay $0x3  }
0x92: {  	_ =	strace s18  }
0x93: {  	s3 =	sld [smem:$0x3FFC];
	_ =	sdelay $0x3  }
0x94: {  	_ =	strace s3  }
0x95: {  	s3 =	sld [smem:$0x3FFD];
	_ =	sdelay $0x3  }
0x96: {  	_ =	strace s3  }
0x97: {  	_ =	strace $0x8FFFFFFF  }
0x98: {  	s19 =	sld [smem:$0x3FDB];
	_ =	sdelay $0x1  }
0x99: {  	s4 =	simm.s32 $_scs_section_size  }
0x9a: {  	s5 =	simm.s32 $_size__tile_overlayer_lowered;
	s6 =	simm.s32 $_tile_overlayer_lowered  }
0x9b: {  	s22 =	simm.s32 $0x1BFF;
	s21 =	sshll.u32 s6, $0x1;
	s3 =	sadd.s32 s4, s19  }
0x9c: {  	s7 =	simm.s32 $0x0;
	s20 =	sshll.u32 s5, $0x1;
	s5 =	sadd.s32 s21, s3  }
0x9d: {  	[timem:s7], [sflag:s22] =	dma.local [hbm:s5], s20  }
0x9e: {  	_ =	swait.ge [sflag:s22], s20  }
0x9f: {  	s4 =	ssub.s32 $0x0, s20;
	[sflag:s22] =	ssyncset.done $0x0  }
0xa0: {  	[sflag:s22] =	ssyncadd.s32 s4;
	_ =	sdelay $0x1  }
0xa1: {  	s23 =	simm.s32 $0x1B8B  }
0xa2: {  	_ =	swait.ge [sflag:s23], $0x1  }
0xa3: {  	[sflag:s23] =	ssyncset.done $0x0  }
0xa4: {  	s25 =	simm.s32 $0x1B8E;
	s24 =	sld [smem:$0x3FFE];
	[sflag:s23] =	ssyncadd.s32 $0xFFFFFFFF  }
0xa5: {  	s26 =	simm.s32 $execute0_lowered;
	[smem:$0x3FD2] =	sst s25  }
0xa6: {  	s5 =	sshll.u32 s26, $0x1;
	_ =	strace $0x80000046;
	[dreg:$0x1] =	wrdreg $0xFFFFFFFF  }
0xa7: {  	s28 =	simm.s32 $_size_execute0_lowered;
	s3 =	sadd.s32 s3, s5;
	[dreg:$0x0] =	wrdreg $0x0  }
0xa8: {  	s5 =	sshll.u32 s28, $0x1;
	[dreg:$0x2] =	wrdreg s3  }
0xa9: {  	[dreg:$0x3] =	wrdreg s5  }
0xaa: {  	[dreg:$0x4] =	wrdreg $0xC0  }
0xab: {  	_ =	task [dreg:s7], $0x5FFFF  }
0xac: {  	[dreg:$0x1] =	wrdreg $0xFFFFFFFF  }
0xad: {  	[dreg:$0x0] =	wrdreg $0x60  }
0xae: {  	[dreg:$0x2] =	wrdreg s2  }
0xaf: {  	[dreg:$0x3] =	wrdreg s24  }
0xb0: {  	[dreg:$0x4] =	wrdreg $0x9  }
0xb1: {  	_ =	task.clear_ibuf [dreg:s7], $0x5FFFF;
	_ =	strace $0x90000046  }
0xb2: {  	s29 =	simm.s32 $0x9;
	_ =	strace $0x80000048  }
0xb3: {  	_ =	swait.ge [sflag:s29], $0x1  }
0xb4: {  	[sflag:s29] =	ssyncadd.s32 $0xFFFFFFFF  }
0xb5: {  	_ =	strace $0x90000048  }
0xb6: {  	_ =	sfence  }
0xb7: {  	s30 =	sld [smem:$0x0];
	_ =	sdelay $0x2  }
0xb8: {  	s31 =	sshll.u32 s1, $0xD;
	s1 =	sshrl.u32 s1, $0x2  }
0xb9: {  	s3 =	sand.u32 $0x4000, s31;
	s1 =	sadd.s32 s1, s30  }
0xba: {  	s0 =	sor.u32 s3, s0;
	s1 =	sshll.u32 s1, $0x11  }
0xbb: {  	s0 =	sor.u32 s1, s0  }
0xbc: {  	s0 =	sadd.s32 $0x8F2B, s0  }
0xbd: {  	[sflag:s0] =	ssyncadd.remote.s32 $0x1  }
0xbe: {  	_ =	sfence.sel $0xFFFF  }
0xbf: {  	[dreg:$0x0] =	wrdreg $0xFFFFFFFF;
	(pc) =	sbr.abs _section_cstart, $3  }
0xc0: {  	[dreg:$0x1] =	wrdreg $0xFFFFFFFF  }
0xc1: {  	_ =	task.clear_ibuf [dreg:s7], $0x2FFFF;
	_ =	strace $0x9FFFFFFF  }
0xc2: {  	(tm) =	ssettm $0x7FFFFFFF  }
0xc3: {  	_ =	shalt  }
tec
execute0_lowered:
.L_overlay_start_1:
0x0: {  	(tag) =	ssettag $0x1  }
0x1: {  	s2 =	rddreg [dreg:$0x0]  }
0x2: {  	s4 =	rddreg [dreg:$0x1]  }
0x3: {  	s3 =	srdreg.scid;
	s1 =	stileid.u32  }
0x4: {  	s0 =	rddreg [dreg:$0x2];
	s5 =	sand.u32 $0x1, s3;
	s6 =	sshll.u32 s1, $0x1  }
0x5: {  	s3 =	simm.s32 $0x0;
	s6 =	sor.u32 s5, s6;
	s5 =	ssub.s32 $0x2, s5  }
0x6: {  	[smem:$0x7FF] =	sst s3;
	s7 =	sshll.u32 s6, $0xD;
	s8 =	sshrl.u32 s5, $0x1  }
0x7: {  	_ =	strace $0x80000047;
	s6 =	sshll.u32 s6, $0x13;
	s4 =	sadd.s32 s7, s4  }
0x8: {  	s5 =	ssub.s32 s5, s8;
	v0 =	vmov s6;
	s6 =	simm.s32 $0x1;
	s7 =	simm.s32 $0x1000  }
0x9: {  	v1 =	vimm.s32 $0x0;
	s8 =	simm.s32 $0x0;
	s4 =	sadd.s32 $0x1200, s4;
	s5 =	smax.u32 s5, $0x1  }
.LBB2_1:
0xa: {  	[tilespmem:s3], [sflag:$0x1] =	stream.linear.gather [hbm4b:s2+s3], $0x1000, $0x38;
	[tilespmem:$0x11000] =	vst v63  }
0xb: {  	_ =	swait.ge [sflag:s6], $0x1000  }
0xc: {  	[sflag:s6] =	ssyncset.done $0x0  }
0xd: {  	s9 =	simm.s32 $0x0;
	s10 =	simm.s32 $0x400;
	[sflag:s6] =	ssyncadd.s32 $0xFFFFF000  }
.LBB2_2:
0xe: {  	p0 =	sne.s32 s10, $0x3FC00;
	[tilespmem:s9+$0x10F0] =	vst v1  }
0xf: {  	[tilespmem:s9+$0x1000] =	vst v1  }
0x10: {  	[tilespmem:s9+$0x1010] =	vst v1  }
0x11: {  	[tilespmem:s9+$0x1020] =	vst v1  }
0x12: {  	[tilespmem:s9+$0x1030] =	vst v1  }
0x13: {  	[tilespmem:s9+$0x1040] =	vst v1  }
0x14: {  	[tilespmem:s9+$0x1050] =	vst v1  }
0x15: {  	[tilespmem:s9+$0x1060] =	vst v1  }
0x16: {  	[tilespmem:s9+$0x1070] =	vst v1  }
0x17: {  	[tilespmem:s9+$0x1080] =	vst v1  }
0x18: {  	[tilespmem:s9+$0x1090] =	vst v1  }
.Ltmp0:
0x19: {  	[tilespmem:s9+$0x10A0] =	vst v1;
	(pc) =	sbr.rel @p0 .LBB2_2-.Ltmp0, $4  }
0x1a: {  	[tilespmem:s9+$0x10B0] =	vst v1  }
0x1b: {  	[tilespmem:s9+$0x10C0] =	vst v1  }
0x1c: {  	[tilespmem:s9+$0x10D0] =	vst v1  }
0x1d: {  	[tilespmem:s9+$0x10E0] =	vst v1;
	s9 =	sshra.s32 s10, $0x2;
	s10 =	sadd.s32 $0x400, s10  }
0x1e: {  	[tilespmem:s9+$0x10F0] =	vst v1  }
0x1f: {  	[tilespmem:s9+$0x1000] =	vst v1  }
0x20: {  	[tilespmem:s9+$0x1010] =	vst v1  }
0x21: {  	[tilespmem:s9+$0x1020] =	vst v1  }
0x22: {  	[tilespmem:s9+$0x1030] =	vst v1  }
0x23: {  	[tilespmem:s9+$0x1040] =	vst v1  }
0x24: {  	[tilespmem:s9+$0x1050] =	vst v1  }
0x25: {  	[tilespmem:s9+$0x1060] =	vst v1  }
0x26: {  	[tilespmem:s9+$0x1070] =	vst v1  }
0x27: {  	[tilespmem:s9+$0x1080] =	vst v1  }
0x28: {  	[tilespmem:s9+$0x1090] =	vst v1  }
0x29: {  	[tilespmem:s9+$0x10A0] =	vst v1  }
0x2a: {  	[tilespmem:s9+$0x10B0] =	vst v1  }
0x2b: {  	[tilespmem:s9+$0x10C0] =	vst v1  }
0x2c: {  	[tilespmem:s9+$0x10D0] =	vst v1  }
0x2d: {  	[tilespmem:s9+$0x10E0] =	vst v1;
	s31 =	simm.s32 $0x0  }
0x2e: {  	v2 =	vld [tilespmem:s31+$0x0];
	_ =	sdelay $0x4  }
0x2f: {  	v3 =	vsub.s32 v2, v0  }
0x30: {  	v4 =	vand.u32 $0x7, v2;
	v2 =	vshra.s32 v3, $0x3  }
0x31: {  	vm0 =	vlt.u32 v3, $0x80000;
	vm1 =	veq.s32 v4, $0x0;
	vm2 =	vgt.s32 v2, $0x0  }
0x32: {  	vm1 =	vmand vm0, vm1;
	v2 =	vnsel vm2, $0x0, v2  }
0x33: {  	v2 =	vmin.u32 v2, $0xFFFF;
	_ =	sdelay $0x4  }
0x34: {  	vm2 =	veq.s32 v4, $0x1;
	v3 =	vld.idx.msk [tilespmem:v2+s7+$0x0], vm1  }
0x35: {  	vm2 =	vmand vm0, vm2;
	_ =	sdelay $0x3  }
0x36: {  	v3 =	vor.u32 $0x1, v3  }
0x37: {  	[tilespmem:v2+s7+$0x0] =	vst.idx.msk vm1, v3  }
0x38: {  	vm1 =	veq.s32 v4, $0x2;
	v3 =	vld.idx.msk [tilespmem:v2+s7+$0x0], vm2  }
0x39: {  	vm1 =	vmand vm0, vm1;
	_ =	sdelay $0x3  }
0x3a: {  	v3 =	vor.u32 $0x2, v3  }
0x3b: {  	[tilespmem:v2+s7+$0x0] =	vst.idx.msk vm2, v3  }
0x3c: {  	vm2 =	veq.s32 v4, $0x3;
	v3 =	vld.idx.msk [tilespmem:v2+s7+$0x0], vm1  }
0x3d: {  	vm2 =	vmand vm0, vm2;
	_ =	sdelay $0x3  }
0x3e: {  	v3 =	vor.u32 $0x4, v3  }
0x3f: {  	[tilespmem:v2+s7+$0x0] =	vst.idx.msk vm1, v3  }
0x40: {  	vm1 =	veq.s32 v4, $0x4;
	v3 =	vld.idx.msk [tilespmem:v2+s7+$0x0], vm2  }
0x41: {  	vm1 =	vmand vm0, vm1;
	_ =	sdelay $0x3  }
0x42: {  	v3 =	vor.u32 $0x8, v3  }
0x43: {  	[tilespmem:v2+s7+$0x0] =	vst.idx.msk vm2, v3  }
0x44: {  	vm2 =	veq.s32 v4, $0x5;
	v3 =	vld.idx.msk [tilespmem:v2+s7+$0x0], vm1  }
0x45: {  	vm2 =	vmand vm0, vm2;
	_ =	sdelay $0x3  }
0x46: {  	v3 =	vor.u32 $0x10, v3  }
0x47: {  	[tilespmem:v2+s7+$0x0] =	vst.idx.msk vm1, v3  }
0x48: {  	vm1 =	veq.s32 v4, $0x6;
	v3 =	vld.idx.msk [tilespmem:v2+s7+$0x0], vm2  }
0x49: {  	vm1 =	vmand vm0, vm1;
	_ =	sdelay $0x3  }
0x4a: {  	v3 =	vor.u32 $0x20, v3  }
0x4b: {  	[tilespmem:v2+s7+$0x0] =	vst.idx.msk vm2, v3  }
0x4c: {  	vm2 =	veq.s32 v4, $0x7;
	v3 =	vld.idx.msk [tilespmem:v2+s7+$0x0], vm1  }
0x4d: {  	vm0 =	vmand vm0, vm2;
	_ =	sdelay $0x3  }
0x4e: {  	v3 =	vor.u32 $0x40, v3  }
0x4f: {  	[tilespmem:v2+s7+$0x0] =	vst.idx.msk vm1, v3  }
0x50: {  	v3 =	vld.idx.msk [tilespmem:v2+s7+$0x0], vm0;
	_ =	sdelay $0x4  }
0x51: {  	s9 =	simm.s32 $0x40;
	s10 =	simm.s32 $0x80;
	v3 =	vor.u32 $0x80, v3  }
.LBB2_4:
0x52: {  	p0 =	sne.s32 s10, $0x3FC0  }
0x53: {  	s11 =	sshra.s32 s9, $0x2;
	[tilespmem:v2+s7+$0x0] =	vst.idx.msk vm0, v3;
	s9 =	smov.u32 s10;
	s10 =	sadd.s32 $0x40, s10  }
0x54: {  	v2 =	vld [tilespmem:s11+$0x0];
	_ =	sdelay $0x4  }
0x55: {  	v3 =	vsub.s32 v2, v0;
	v4 =	vand.u32 $0x7, v2  }
0x56: {  	vm0 =	vlt.u32 v3, $0x80000;
	v2 =	vshra.s32 v3, $0x3;
	vm1 =	veq.s32 v4, $0x0  }
0x57: {  	vm6 =	veq.s32 v4, $0x1;
	vm7 =	veq.s32 v4, $0x2;
	vm2 =	vgt.s32 v2, $0x0  }
0x58: {  	vm5 =	veq.s32 v4, $0x3;
	vm8 =	vmand vm0, vm1;
	v2 =	vnsel vm2, $0x0, v2  }
0x59: {  	vm4 =	veq.s32 v4, $0x4;
	vm3 =	veq.s32 v4, $0x5;
	v2 =	vmin.u32 v2, $0xFFFF  }
0x5a: {  	vm1 =	veq.s32 v4, $0x7;
	vm2 =	veq.s32 v4, $0x6;
	_ =	sdelay $0x3  }
0x5b: {  	v3 =	vld.idx.msk [tilespmem:v2+s7+$0x0], vm8;
	_ =	sdelay $0x1  }
0x5c: {  	vm6 =	vmand vm0, vm6;
	_ =	sdelay $0x3  }
0x5d: {  	v3 =	vor.u32 $0x1, v3  }
0x5e: {  	[tilespmem:v2+s7+$0x0] =	vst.idx.msk vm8, v3  }
0x5f: {  	v3 =	vld.idx.msk [tilespmem:v2+s7+$0x0], vm6;
	_ =	sdelay $0x1  }
0x60: {  	vm7 =	vmand vm0, vm7;
	_ =	sdelay $0x3  }
0x61: {  	v3 =	vor.u32 $0x2, v3  }
0x62: {  	[tilespmem:v2+s7+$0x0] =	vst.idx.msk vm6, v3  }
0x63: {  	v3 =	vld.idx.msk [tilespmem:v2+s7+$0x0], vm7;
	_ =	sdelay $0x1  }
0x64: {  	vm5 =	vmand vm0, vm5;
	_ =	sdelay $0x3  }
0x65: {  	v3 =	vor.u32 $0x4, v3  }
0x66: {  	[tilespmem:v2+s7+$0x0] =	vst.idx.msk vm7, v3  }
0x67: {  	v3 =	vld.idx.msk [tilespmem:v2+s7+$0x0], vm5;
	_ =	sdelay $0x1  }
0x68: {  	vm4 =	vmand vm0, vm4;
	_ =	sdelay $0x3  }
0x69: {  	v3 =	vor.u32 $0x8, v3  }
0x6a: {  	[tilespmem:v2+s7+$0x0] =	vst.idx.msk vm5, v3  }
0x6b: {  	v3 =	vld.idx.msk [tilespmem:v2+s7+$0x0], vm4;
	_ =	sdelay $0x1  }
0x6c: {  	vm3 =	vmand vm0, vm3;
	_ =	sdelay $0x3  }
0x6d: {  	v3 =	vor.u32 $0x10, v3  }
0x6e: {  	[tilespmem:v2+s7+$0x0] =	vst.idx.msk vm4, v3  }
0x6f: {  	v3 =	vld.idx.msk [tilespmem:v2+s7+$0x0], vm3;
	_ =	sdelay $0x1  }
0x70: {  	vm2 =	vmand vm0, vm2;
	_ =	sdelay $0x3  }
0x71: {  	v3 =	vor.u32 $0x20, v3  }
0x72: {  	[tilespmem:v2+s7+$0x0] =	vst.idx.msk vm3, v3  }
0x73: {  	v3 =	vld.idx.msk [tilespmem:v2+s7+$0x0], vm2;
	_ =	sdelay $0x1  }
0x74: {  	vm0 =	vmand vm0, vm1;
	_ =	sdelay $0x3  }
0x75: {  	v3 =	vor.u32 $0x40, v3  }
0x76: {  	[tilespmem:v2+s7+$0x0] =	vst.idx.msk vm2, v3  }
0x77: {  	v3 =	vld.idx.msk [tilespmem:v2+s7+$0x0], vm0;
	_ =	sdelay $0x1  }
.Ltmp1:
0x78: {  	(pc) =	sbr.rel @p0 .LBB2_4-.Ltmp1, $2  }
0x79: {  	_ =	sdelay $0x2  }
0x7a: {  	v3 =	vor.u32 $0x80, v3  }
0x7b: {  	_ =	sdelay $0x4  }
0x7c: {  	s9 =	sshra.s32 s9, $0x2;
	[tilespmem:v2+s7+$0x0] =	vst.idx.msk vm0, v3  }
0x7d: {  	v2 =	vld [tilespmem:s9+$0x0];
	_ =	sdelay $0x4  }
0x7e: {  	v3 =	vsub.s32 v2, v0  }
0x7f: {  	v2 =	vand.u32 $0x7, v2;
	v4 =	vshra.s32 v3, $0x3  }
0x80: {  	vm8 =	vlt.u32 v3, $0x80000;
	vm1 =	veq.s32 v2, $0x0;
	vm2 =	vgt.s32 v4, $0x0  }
0x81: {  	vm1 =	vmand vm8, vm1;
	v3 =	vnsel vm2, $0x0, v4  }
0x82: {  	v3 =	vmin.u32 v3, $0xFFFF;
	_ =	sdelay $0x4  }
0x83: {  	vm9 =	veq.s32 v2, $0x1;
	v63 =	vld.idx.msk [tilespmem:v3+s7+$0x0], vm1  }
0x84: {  	vm2 =	vmand vm8, vm9;
	_ =	sdelay $0x3  }
0x85: {  	v4 =	vor.u32 $0x1, v63  }
0x86: {  	[tilespmem:v3+s7+$0x0] =	vst.idx.msk vm1, v4  }
0x87: {  	vm10 =	veq.s32 v2, $0x2;
	v4 =	vld.idx.msk [tilespmem:v3+s7+$0x0], vm2  }
0x88: {  	vm1 =	vmand vm8, vm10;
	_ =	sdelay $0x3  }
0x89: {  	v4 =	vor.u32 $0x2, v4  }
0x8a: {  	[tilespmem:v3+s7+$0x0] =	vst.idx.msk vm2, v4  }
0x8b: {  	vm11 =	veq.s32 v2, $0x3;
	v4 =	vld.idx.msk [tilespmem:v3+s7+$0x0], vm1  }
0x8c: {  	vm2 =	vmand vm8, vm11;
	_ =	sdelay $0x3  }
0x8d: {  	v4 =	vor.u32 $0x4, v4  }
0x8e: {  	[tilespmem:v3+s7+$0x0] =	vst.idx.msk vm1, v4  }
0x8f: {  	vm12 =	veq.s32 v2, $0x4;
	v4 =	vld.idx.msk [tilespmem:v3+s7+$0x0], vm2  }
0x90: {  	vm1 =	vmand vm8, vm12;
	_ =	sdelay $0x3  }
0x91: {  	v4 =	vor.u32 $0x8, v4  }
0x92: {  	[tilespmem:v3+s7+$0x0] =	vst.idx.msk vm2, v4  }
0x93: {  	vm13 =	veq.s32 v2, $0x5;
	v4 =	vld.idx.msk [tilespmem:v3+s7+$0x0], vm1  }
0x94: {  	vm2 =	vmand vm8, vm13;
	_ =	sdelay $0x3  }
0x95: {  	v4 =	vor.u32 $0x10, v4  }
0x96: {  	[tilespmem:v3+s7+$0x0] =	vst.idx.msk vm1, v4  }
0x97: {  	vm14 =	veq.s32 v2, $0x6;
	v4 =	vld.idx.msk [tilespmem:v3+s7+$0x0], vm2  }
0x98: {  	vm1 =	vmand vm8, vm14;
	_ =	sdelay $0x3  }
0x99: {  	v4 =	vor.u32 $0x20, v4  }
0x9a: {  	[tilespmem:v3+s7+$0x0] =	vst.idx.msk vm2, v4  }
0x9b: {  	vm15 =	veq.s32 v2, $0x7;
	v2 =	vld.idx.msk [tilespmem:v3+s7+$0x0], vm1  }
0x9c: {  	vm0 =	vmand vm8, vm15;
	_ =	sdelay $0x3  }
0x9d: {  	v2 =	vor.u32 $0x40, v2  }
0x9e: {  	[tilespmem:v3+s7+$0x0] =	vst.idx.msk vm1, v2  }
0x9f: {  	v2 =	vld.idx.msk [tilespmem:v3+s7+$0x0], vm0;
	_ =	sdelay $0x3  }
0xa0: {  	s8 =	sadd.s32 $0x1, s8  }
0xa1: {  	p0 =	sne.s32 s8, s5;
	v2 =	vor.u32 $0x80, v2  }
.Ltmp2:
0xa2: {  	[tilespmem:v3+s7+$0x0] =	vst.idx.msk vm0, v2;
	(pc) =	sbr.rel @p0 .LBB2_1-.Ltmp2, $4  }
0xa3: {  	[hbm4b:s4+s3] =	stream.linear.scatter [tilespmem:s7], [sflag:$0x1], $0x10000, $0x38;
	[tilespmem:$0x11000] =	vst v63  }
0xa4: {  	_ =	swait.ge [sflag:s6], $0x10000  }
0xa5: {  	[sflag:s6] =	ssyncset.done $0x0  }
0xa6: {  	[sflag:s6] =	ssyncadd.s32 $0xFFFF0000  }
0xa7: {  	_ =	sfence.sel $0x180000  }
0xa8: {  	[bflag:$0x0] =	sbarrier.arrive $0xFFFF  }
0xa9: {  	p0 =	sne.s32 s1, $0x0;
	_ =	strace $0x90000047  }
0xaa: {  	s0 =	sadd.s32 @!p0 $0x100000, s0;
	[bflag:$0x2] =	sbarrier.arrive $0xFFFF  }
0xab: {  	[sflag:s0] =	ssyncadd.tile.s32 @!p0 $0x1;
	_ =	shalt  }
.Lfunc_end2:
_tile_overlayer_lowered:
.L_overlay_start_2:
0xac: {  	(tag) =	ssettag $0x2  }
0xad: {  	s0 =	rddreg [dreg:$0x0];
	s2 =	stileid.u32  }
0xae: {  	s1 =	rddreg [dreg:$0x1];
	p0 =	sne.s32 s2, $0x0  }
0xaf: {  	s3 =	rddreg [dreg:$0x2];
	[bflag:$0x3] =	sbarrier.arrive $0xFFFF;
	s2 =	simm.s32 @!p0 $0x1C01  }
0xb0: {  	[timem:s3], [sflag:s2] =	dma.local @!p0 [hbm:s0], s1  }
0xb1: {  	s0 =	simm.s32 @!p0 $0x1  }
0xb2: {  	_ =	swait.ge @!p0 [sflag:s0], s1  }
0xb3: {  	s1 =	ssub.s32 @!p0 $0x0, s1;
	[sflag:s0] =	ssyncset.done @!p0 $0x0  }
0xb4: {  	[sflag:s0] =	ssyncadd.s32 @!p0 s1  }
0xb5: {  	[bflag:$0x3] =	sbarrier.arrive $0xFFFF  }
0xb6: {  	_ =	shalt  }

</sc_bundles>
